<compile_context>
chip_gen: v7x
topology: tpu7x:2x2x1
jax: 0.10.2.dev20260603
libtpu: 0.0.44.dev20260713+nightly
codegen_flags: <defaults>
</compile_context>

<pallas_src>
import jax
import jax.numpy as jnp
from jax import lax
from jax.experimental import pallas as pl
from jax.experimental.pallas import tpu as pltpu
from jax.experimental.pallas import tpu_sc as plsc

B = 8
N = 1024
H = 64
HH = H * H
K = 16
S = B * N
R = B * HH
NW = 32
RPW = R // NW
CR = 32
NCHUNK = RPW // CR
NGROUP = NCHUNK // 2


def _full16(v):
    return jnp.full((16,), v, jnp.int32)


def _sc_body(m_hbm, kv_hbm, nvec_hbm, wvec_hbm, gvec_hbm, out_hbm,
             buf0, buf1, nvec_v, wvec_v, gidx_v, kvrows,
             is0, is1, os0, os1, gsem):
    wid = lax.axis_index("c") * 16 + lax.axis_index("s")
    row0 = wid * RPW
    iota16 = lax.broadcasted_iota(jnp.int32, (16,), 0)

    def in_copy(g, buf, sem):
        return pltpu.make_async_copy(
            m_hbm.at[pl.ds(row0 + g * CR, CR), :], buf, sem)

    def out_copy(g, buf, sem):
        return pltpu.make_async_copy(
            buf, out_hbm.at[pl.ds(row0 + g * CR, CR), :], sem)

    in_copy(0, buf0, is0).start()
    in_copy(1, buf1, is1).start()

    pltpu.sync_copy(nvec_hbm.at[wid], nvec_v)
    pltpu.sync_copy(wvec_hbm.at[wid], wvec_v)
    pltpu.sync_copy(gvec_hbm.at[wid], gidx_v)
    pltpu.async_copy(kv_hbm.at[gidx_v], kvrows, gsem).wait()
    nv = nvec_v[...]
    wv = wvec_v[...]
    lane_on = wv > 0.0

    def apply_updates(g, buf):
        x0 = row0 + g * CR
        r = jnp.bitwise_and(lax.shift_right_logical(x0, 6), H - 1)
        c0 = jnp.bitwise_and(x0, H - 1)
        mkw = plsc.load_gather(kvrows, [iota16, _full16(r)]) * wv

        def row_body(rl, carry):
            mvv = plsc.load_gather(kvrows, [iota16, _full16(H + c0 + rl)])
            plsc.addupdate_scatter(buf, [_full16(rl), nv], mkw * mvv,
                                   mask=lane_on)
            return carry

        lax.fori_loop(0, CR, row_body, 0)

    def group(go, carry):
        for s, buf, isem, osem in ((0, buf0, is0, os0), (1, buf1, is1, os1)):
            g = 2 * go + s
            in_copy(g, buf, isem).wait()
            apply_updates(g, buf)
            oc = out_copy(g, buf, osem)
            oc.start()
            oc.wait()

            @pl.when(g + 2 < NCHUNK)
            def _():
                in_copy(g + 2, buf, isem).start()
        return carry

    lax.fori_loop(0, NGROUP, group, 0)


@jax.jit
def kernel(M, M_k, M_v, indices_update):
    idx = indices_update.astype(jnp.int32)
    eq = idx[:, :, None] == idx[:, None, :]
    first = ~jnp.tril(eq, k=-1).any(-1)
    cnt = eq.sum(-1)
    wrow = jnp.where(first, cnt, 0).astype(jnp.float32)
    grow = jnp.arange(B, dtype=jnp.int32)[:, None] * N + idx

    b_of_w = jnp.arange(NW) // (NW // B)
    nvec = idx[b_of_w]
    wvec = wrow[b_of_w]
    gvec = grow[b_of_w]

    m2 = M.transpose(0, 2, 3, 1).reshape(R, N)
    kv = jnp.concatenate([M_k.reshape(S, H), M_v.reshape(S, H)], axis=-1)

    sc_kernel = pl.kernel(
        _sc_body,
        out_type=jax.ShapeDtypeStruct((R, N), jnp.float32),
        mesh=plsc.VectorSubcoreMesh(core_axis_name="c", subcore_axis_name="s"),
        scratch_types=[
            pltpu.VMEM((CR, N), jnp.float32),
            pltpu.VMEM((CR, N), jnp.float32),
            pltpu.VMEM((K,), jnp.int32),
            pltpu.VMEM((K,), jnp.float32),
            pltpu.VMEM((K,), jnp.int32),
            pltpu.VMEM((K, 2 * H), jnp.float32),
            pltpu.SemaphoreType.DMA,
            pltpu.SemaphoreType.DMA,
            pltpu.SemaphoreType.DMA,
            pltpu.SemaphoreType.DMA,
            pltpu.SemaphoreType.DMA,
        ],
        compiler_params=pltpu.CompilerParams(needs_layout_passes=False),
    )
    out2 = sc_kernel(m2, kv, nvec, wvec, gvec)
    return out2.reshape(B, H, H, N).transpose(0, 3, 1, 2)

# --- scband reference (transcript-rebuilt; emitter-appended) ---
"""Pipeline reference for scband-linear-attention-8383776161859 (READ-ONLY COPY).

The authoritative reference and input builder live on the scoring server;
editing this copy changes nothing except your own understanding.
"""

import jax, jax.numpy as jnp
import numpy as np

B = 8
NUM_MEM = 1024
H = 64
K = 16

def setup_inputs(seed: int = 0) -> dict:
    key = jax.random.key(seed)
    k1, k2, k3, k4 = jax.random.split(key, 4)
    M = jax.random.normal(k1, (B, NUM_MEM, H, H), dtype=jnp.float32)
    M_k = jax.random.normal(k2, (B, NUM_MEM, H), dtype=jnp.float32)
    M_v = jax.random.normal(k3, (B, NUM_MEM, H), dtype=jnp.float32)
    indices_update = jax.random.randint(k4, (B, K), 0, NUM_MEM, dtype=jnp.int64 if jax.config.jax_enable_x64 else jnp.int32)
    return {"M": M, "M_k": M_k, "M_v": M_v, "indices_update": indices_update}

def reference(M, M_k, M_v, indices_update):
    hidden_dim = M.shape[2]
    # outer product per memory slot: (B, N, H, 1) @ (B, N, 1, H) -> (B, N, H, H)
    M_kv = M_k[..., :, None] @ M_v[..., None, :]
    # gather the k+1 selected outer products along the memory axis
    idx_exp = jnp.broadcast_to(
        indices_update[:, :, None, None],
        (indices_update.shape[0], indices_update.shape[1], hidden_dim, hidden_dim),
    )
    M_kv_to_add = jnp.take_along_axis(M_kv, idx_exp, axis=1)
    # scatter-add back into the full memory (duplicates accumulate, matching scatter_add_)
    b = jnp.arange(M.shape[0])[:, None]
    M_new = M.at[b, indices_update].add(M_kv_to_add)
    return M_new

if __name__ == "__main__":
    import jax
    _d = setup_inputs()
    print(jax.jit(kernel)(*tuple(_d.values())))

</pallas_src>

<mosaic_0001>
#map = affine_map<(d0, d1) -> (0, 0)>
module attributes {stable_mosaic.version = 14 : i64} {
  func.func @_sc_body(%arg0: i32, %arg1: i32, %arg2: memref<32768x1024xf32, #tpu.memory_space<hbm>>, %arg3: memref<8192x128xf32, #tpu.memory_space<hbm>>, %arg4: memref<32x16xi32, #tpu.memory_space<hbm>>, %arg5: memref<32x16xf32, #tpu.memory_space<hbm>>, %arg6: memref<32x16xi32, #tpu.memory_space<hbm>>, %arg7: memref<32768x1024xf32, #tpu.memory_space<hbm>>, %arg8: memref<32x1024xf32, #tpu.memory_space<vmem>>, %arg9: memref<32x1024xf32, #tpu.memory_space<vmem>>, %arg10: memref<16xi32, #tpu.memory_space<vmem>>, %arg11: memref<16xf32, #tpu.memory_space<vmem>>, %arg12: memref<16xi32, #tpu.memory_space<vmem>>, %arg13: memref<16x128xf32, #tpu.memory_space<vmem>>, %arg14: memref<!tpu.dma_semaphore, #tpu.memory_space<semaphore_mem>>, %arg15: memref<!tpu.dma_semaphore, #tpu.memory_space<semaphore_mem>>, %arg16: memref<!tpu.dma_semaphore, #tpu.memory_space<semaphore_mem>>, %arg17: memref<!tpu.dma_semaphore, #tpu.memory_space<semaphore_mem>>, %arg18: memref<!tpu.dma_semaphore, #tpu.memory_space<semaphore_mem>>) attributes {dimension_semantics = [#tpu.dimension_semantics<core_parallel>, #tpu.dimension_semantics<subcore_parallel>], iteration_bounds = array<i64: 2, 16>, scalar_prefetch = 0 : i64, scratch_operands = 11 : i64, tpu.core_type = #tpu.core_type<sc_vector_subcore>, window_params = [{transform_indices = #map}, {transform_indices = #map}, {transform_indices = #map}, {transform_indices = #map}, {transform_indices = #map}, {transform_indices = #map}]} {
    %mul3A = arith.constant 16 : i32
    %mul3A_0 = arith.muli %arg0, %mul3A : i32
    %add3A = arith.addi %mul3A_0, %arg1 : i32
    %mul3A_1 = arith.constant 1024 : i32
    %mul3A_2 = arith.muli %add3A, %mul3A_1 : i32
    %iota3A = tpu.iota {dimensions = array<i32: 0>} : vector<16xi32>
    %add3A_3 = arith.constant 0 : i32
    %add3A_4 = arith.addi %mul3A_2, %add3A_3 : i32
    %dma_start3A = arith.constant 0 : i32
    %dma_start3A_5 = tpu.memref_slice %arg2[%add3A_4, %dma_start3A] : memref<32768x1024xf32, #tpu.memory_space<hbm>> -> memref<32x1024xf32, #tpu.memory_space<hbm>>
    %dma_start3A_6 = arith.constant 0 : i32
    %dma_start3A_7 = tpu.memref_slice %arg2[%add3A_4, %dma_start3A_6] : memref<32768x1024xf32, #tpu.memory_space<hbm>> -> memref<32x1024xf32, #tpu.memory_space<hbm>>
    tpu.enqueue_dma source(%dma_start3A_7 : memref<32x1024xf32, #tpu.memory_space<hbm>>) target(%arg8 : memref<32x1024xf32, #tpu.memory_space<vmem>>) target_semaphore(%arg14 : memref<!tpu.dma_semaphore, #tpu.memory_space<semaphore_mem>>)
    %add3A_8 = arith.constant 32 : i32
    %add3A_9 = arith.addi %mul3A_2, %add3A_8 : i32
    %dma_start3A_10 = arith.constant 0 : i32
    %dma_start3A_11 = tpu.memref_slice %arg2[%add3A_9, %dma_start3A_10] : memref<32768x1024xf32, #tpu.memory_space<hbm>> -> memref<32x1024xf32, #tpu.memory_space<hbm>>
    %dma_start3A_12 = arith.constant 0 : i32
    %dma_start3A_13 = tpu.memref_slice %arg2[%add3A_9, %dma_start3A_12] : memref<32768x1024xf32, #tpu.memory_space<hbm>> -> memref<32x1024xf32, #tpu.memory_space<hbm>>
    tpu.enqueue_dma source(%dma_start3A_13 : memref<32x1024xf32, #tpu.memory_space<hbm>>) target(%arg9 : memref<32x1024xf32, #tpu.memory_space<vmem>>) target_semaphore(%arg15 : memref<!tpu.dma_semaphore, #tpu.memory_space<semaphore_mem>>)
    "tpu.region"() ({
      %run_scoped3A = tpu.sem_alloc : memref<!tpu.dma_semaphore, #tpu.memory_space<semaphore_mem>>
      %dma_start3A_29 = arith.constant 0 : i32
      %dma_start3A_30 = tpu.memref_slice %arg4[%add3A, %dma_start3A_29] : memref<32x16xi32, #tpu.memory_space<hbm>> -> memref<1x16xi32, #tpu.memory_space<hbm>>
      %dma_start3A_31 = tpu.memref_squeeze %dma_start3A_30 : memref<1x16xi32, #tpu.memory_space<hbm>> -> memref<16xi32, #tpu.memory_space<hbm>>
      %dma_start3A_32 = arith.constant 0 : i32
      %dma_start3A_33 = tpu.memref_slice %arg4[%add3A, %dma_start3A_32] : memref<32x16xi32, #tpu.memory_space<hbm>> -> memref<1x16xi32, #tpu.memory_space<hbm>>
      %dma_start3A_34 = tpu.memref_squeeze %dma_start3A_33 : memref<1x16xi32, #tpu.memory_space<hbm>> -> memref<16xi32, #tpu.memory_space<hbm>>
      tpu.enqueue_dma source(%dma_start3A_34 : memref<16xi32, #tpu.memory_space<hbm>>) target(%arg10 : memref<16xi32, #tpu.memory_space<vmem>>) target_semaphore(%run_scoped3A : memref<!tpu.dma_semaphore, #tpu.memory_space<semaphore_mem>>)
      %dma_wait3A_35 = arith.constant 0 : i32
      %dma_wait3A_36 = tpu.memref_slice %arg4[%add3A, %dma_wait3A_35] : memref<32x16xi32, #tpu.memory_space<hbm>> -> memref<1x16xi32, #tpu.memory_space<hbm>>
      %dma_wait3A_37 = tpu.memref_squeeze %dma_wait3A_36 : memref<1x16xi32, #tpu.memory_space<hbm>> -> memref<16xi32, #tpu.memory_space<hbm>>
      %dma_wait3A_38 = arith.constant 0 : i32
      %dma_wait3A_39 = tpu.memref_slice %arg4[%add3A, %dma_wait3A_38] : memref<32x16xi32, #tpu.memory_space<hbm>> -> memref<1x16xi32, #tpu.memory_space<hbm>>
      %dma_wait3A_40 = tpu.memref_squeeze %dma_wait3A_39 : memref<1x16xi32, #tpu.memory_space<hbm>> -> memref<16xi32, #tpu.memory_space<hbm>>
      tpu.wait_dma2 semaphore(%run_scoped3A : memref<!tpu.dma_semaphore, #tpu.memory_space<semaphore_mem>>) src(%dma_wait3A_40 : memref<16xi32, #tpu.memory_space<hbm>>) dst(%arg10 : memref<16xi32, #tpu.memory_space<vmem>>)
      tpu.yield
    }) : () -> ()
    "tpu.region"() ({
      %run_scoped3A = tpu.sem_alloc : memref<!tpu.dma_semaphore, #tpu.memory_space<semaphore_mem>>
      %dma_start3A_29 = arith.constant 0 : i32
      %dma_start3A_30 = tpu.memref_slice %arg5[%add3A, %dma_start3A_29] : memref<32x16xf32, #tpu.memory_space<hbm>> -> memref<1x16xf32, #tpu.memory_space<hbm>>
      %dma_start3A_31 = tpu.memref_squeeze %dma_start3A_30 : memref<1x16xf32, #tpu.memory_space<hbm>> -> memref<16xf32, #tpu.memory_space<hbm>>
      %dma_start3A_32 = arith.constant 0 : i32
      %dma_start3A_33 = tpu.memref_slice %arg5[%add3A, %dma_start3A_32] : memref<32x16xf32, #tpu.memory_space<hbm>> -> memref<1x16xf32, #tpu.memory_space<hbm>>
      %dma_start3A_34 = tpu.memref_squeeze %dma_start3A_33 : memref<1x16xf32, #tpu.memory_space<hbm>> -> memref<16xf32, #tpu.memory_space<hbm>>
      tpu.enqueue_dma source(%dma_start3A_34 : memref<16xf32, #tpu.memory_space<hbm>>) target(%arg11 : memref<16xf32, #tpu.memory_space<vmem>>) target_semaphore(%run_scoped3A : memref<!tpu.dma_semaphore, #tpu.memory_space<semaphore_mem>>)
      %dma_wait3A_35 = arith.constant 0 : i32
      %dma_wait3A_36 = tpu.memref_slice %arg5[%add3A, %dma_wait3A_35] : memref<32x16xf32, #tpu.memory_space<hbm>> -> memref<1x16xf32, #tpu.memory_space<hbm>>
      %dma_wait3A_37 = tpu.memref_squeeze %dma_wait3A_36 : memref<1x16xf32, #tpu.memory_space<hbm>> -> memref<16xf32, #tpu.memory_space<hbm>>
      %dma_wait3A_38 = arith.constant 0 : i32
      %dma_wait3A_39 = tpu.memref_slice %arg5[%add3A, %dma_wait3A_38] : memref<32x16xf32, #tpu.memory_space<hbm>> -> memref<1x16xf32, #tpu.memory_space<hbm>>
      %dma_wait3A_40 = tpu.memref_squeeze %dma_wait3A_39 : memref<1x16xf32, #tpu.memory_space<hbm>> -> memref<16xf32, #tpu.memory_space<hbm>>
      tpu.wait_dma2 semaphore(%run_scoped3A : memref<!tpu.dma_semaphore, #tpu.memory_space<semaphore_mem>>) src(%dma_wait3A_40 : memref<16xf32, #tpu.memory_space<hbm>>) dst(%arg11 : memref<16xf32, #tpu.memory_space<vmem>>)
      tpu.yield
    }) : () -> ()
    "tpu.region"() ({
      %run_scoped3A = tpu.sem_alloc : memref<!tpu.dma_semaphore, #tpu.memory_space<semaphore_mem>>
      %dma_start3A_29 = arith.constant 0 : i32
      %dma_start3A_30 = tpu.memref_slice %arg6[%add3A, %dma_start3A_29] : memref<32x16xi32, #tpu.memory_space<hbm>> -> memref<1x16xi32, #tpu.memory_space<hbm>>
      %dma_start3A_31 = tpu.memref_squeeze %dma_start3A_30 : memref<1x16xi32, #tpu.memory_space<hbm>> -> memref<16xi32, #tpu.memory_space<hbm>>
      %dma_start3A_32 = arith.constant 0 : i32
      %dma_start3A_33 = tpu.memref_slice %arg6[%add3A, %dma_start3A_32] : memref<32x16xi32, #tpu.memory_space<hbm>> -> memref<1x16xi32, #tpu.memory_space<hbm>>
      %dma_start3A_34 = tpu.memref_squeeze %dma_start3A_33 : memref<1x16xi32, #tpu.memory_space<hbm>> -> memref<16xi32, #tpu.memory_space<hbm>>
      tpu.enqueue_dma source(%dma_start3A_34 : memref<16xi32, #tpu.memory_space<hbm>>) target(%arg12 : memref<16xi32, #tpu.memory_space<vmem>>) target_semaphore(%run_scoped3A : memref<!tpu.dma_semaphore, #tpu.memory_space<semaphore_mem>>)
      %dma_wait3A_35 = arith.constant 0 : i32
      %dma_wait3A_36 = tpu.memref_slice %arg6[%add3A, %dma_wait3A_35] : memref<32x16xi32, #tpu.memory_space<hbm>> -> memref<1x16xi32, #tpu.memory_space<hbm>>
      %dma_wait3A_37 = tpu.memref_squeeze %dma_wait3A_36 : memref<1x16xi32, #tpu.memory_space<hbm>> -> memref<16xi32, #tpu.memory_space<hbm>>
      %dma_wait3A_38 = arith.constant 0 : i32
      %dma_wait3A_39 = tpu.memref_slice %arg6[%add3A, %dma_wait3A_38] : memref<32x16xi32, #tpu.memory_space<hbm>> -> memref<1x16xi32, #tpu.memory_space<hbm>>
      %dma_wait3A_40 = tpu.memref_squeeze %dma_wait3A_39 : memref<1x16xi32, #tpu.memory_space<hbm>> -> memref<16xi32, #tpu.memory_space<hbm>>
      tpu.wait_dma2 semaphore(%run_scoped3A : memref<!tpu.dma_semaphore, #tpu.memory_space<semaphore_mem>>) src(%dma_wait3A_40 : memref<16xi32, #tpu.memory_space<hbm>>) dst(%arg12 : memref<16xi32, #tpu.memory_space<vmem>>)
      tpu.yield
    }) : () -> ()
    %dma_start3A_14 = arith.constant 0 : i32
    %dma_start3A_15 = arith.constant 0 : i32
    %dma_start3A_16 = tpu.memref_slice %arg3[%dma_start3A_14, %dma_start3A_15] : memref<8192x128xf32, #tpu.memory_space<hbm>> -> memref<8192x128xf32, #tpu.memory_space<hbm>>
    tpu.enqueue_indirect_dma source(%dma_start3A_16 : memref<8192x128xf32, #tpu.memory_space<hbm>>) target(%arg13 : memref<16x128xf32, #tpu.memory_space<vmem>>) offsets(%arg12 : memref<16xi32, #tpu.memory_space<vmem>>) semaphore(%arg18 : memref<!tpu.dma_semaphore, #tpu.memory_space<semaphore_mem>>)
    %dma_wait3A = arith.constant 0 : i32
    %dma_wait3A_17 = arith.constant 0 : i32
    %dma_wait3A_18 = tpu.memref_slice %arg3[%dma_wait3A, %dma_wait3A_17] : memref<8192x128xf32, #tpu.memory_space<hbm>> -> memref<8192x128xf32, #tpu.memory_space<hbm>>
    tpu.wait_indirect_dma semaphore(%arg18 : memref<!tpu.dma_semaphore, #tpu.memory_space<semaphore_mem>>) src(%dma_wait3A_18 : memref<8192x128xf32, #tpu.memory_space<hbm>>) dst(%arg13 : memref<16x128xf32, #tpu.memory_space<vmem>>)
    %get3A = arith.constant 0 : index
    %get3A_19 = tpu.vector_load %arg10[%get3A] {strides = array<i32>} : memref<16xi32, #tpu.memory_space<vmem>>, vector<16xi32>,
    %get3A_20 = arith.constant 0 : index
    %get3A_21 = tpu.vector_load %arg11[%get3A_20] {strides = array<i32>} : memref<16xf32, #tpu.memory_space<vmem>>, vector<16xf32>,
    %gt3A = arith.constant 0.000000e+00 : f32
    %gt3A_22 = vector.broadcast %gt3A : f32 to vector<16xf32>
    %gt3A_23 = arith.cmpf ogt, %get3A_21, %gt3A_22 : vector<16xf32>
    %scan3A = arith.constant 0 : i32
    %scan3A_24 = arith.constant 0 : i32
    %scan3A_25 = arith.constant 16 : i32
    %scan3A_26 = arith.addi %scan3A_24, %scan3A_25 : i32
    %scan3A_27 = arith.constant 1 : i32
    scf.for %scan3A_29 = %scan3A_24 to %scan3A_26 step %scan3A_27  : i32 {
      %mul3A_30 = arith.constant 2 : i32
      %mul3A_31 = arith.muli %mul3A_30, %scan3A_29 : i32
      %add3A_32 = arith.constant 0 : i32
      %add3A_33 = arith.addi %mul3A_31, %add3A_32 : i32
      %mul3A_34 = arith.constant 32 : i32
      %mul3A_35 = arith.muli %add3A_33, %mul3A_34 : i32
      %add3A_36 = arith.addi %mul3A_2, %mul3A_35 : i32
      %dma_wait3A_37 = arith.constant 0 : i32
      %dma_wait3A_38 = tpu.memref_slice %arg2[%add3A_36, %dma_wait3A_37] : memref<32768x1024xf32, #tpu.memory_space<hbm>> -> memref<32x1024xf32, #tpu.memory_space<hbm>>
      %dma_wait3A_39 = arith.constant 0 : i32
      %dma_wait3A_40 = tpu.memref_slice %arg2[%add3A_36, %dma_wait3A_39] : memref<32768x1024xf32, #tpu.memory_space<hbm>> -> memref<32x1024xf32, #tpu.memory_space<hbm>>
      tpu.wait_dma2 semaphore(%arg14 : memref<!tpu.dma_semaphore, #tpu.memory_space<semaphore_mem>>) src(%dma_wait3A_40 : memref<32x1024xf32, #tpu.memory_space<hbm>>) dst(%arg8 : memref<32x1024xf32, #tpu.memory_space<vmem>>)
      %mul3A_41 = arith.constant 32 : i32
      %mul3A_42 = arith.muli %add3A_33, %mul3A_41 : i32
      %add3A_43 = arith.addi %mul3A_2, %mul3A_42 : i32
      %shift_right_logical3A = arith.constant 6 : i32
      %shift_right_logical3A_44 = arith.shrui %add3A_43, %shift_right_logical3A : i32
      %and3A = arith.constant 63 : i32
      %and3A_45 = arith.andi %shift_right_logical3A_44, %and3A : i32
      %and3A_46 = arith.constant 63 : i32
      %and3A_47 = arith.andi %add3A_43, %and3A_46 : i32
      %broadcast_in_dim3A = vector.broadcast %and3A_45 : i32 to vector<16xi32>
      %gather3A = tpu.vector_load_idx %arg13[%iota3A, %broadcast_in_dim3A] : memref<16x128xf32, #tpu.memory_space<vmem>>[vector<16xi32>, vector<16xi32>], vector<16xf32>,
      %mul3A_48 = arith.mulf %gather3A, %get3A_21 : vector<16xf32>
      %scan3A_49 = arith.constant 0 : i32
      %scan3A_50 = arith.constant 0 : i32
      %scan3A_51 = arith.constant 32 : i32
      %scan3A_52 = arith.addi %scan3A_50, %scan3A_51 : i32
      %scan3A_53 = arith.constant 1 : i32
      scf.for %scan3A_117 = %scan3A_50 to %scan3A_52 step %scan3A_53  : i32 {
        %add3A_118 = arith.constant 64 : i32
        %add3A_119 = arith.addi %add3A_118, %and3A_47 : i32
        %add3A_120 = arith.addi %add3A_119, %scan3A_117 : i32
        %broadcast_in_dim3A_121 = vector.broadcast %add3A_120 : i32 to vector<16xi32>
        %gather3A_122 = tpu.vector_load_idx %arg13[%iota3A, %broadcast_in_dim3A_121] : memref<16x128xf32, #tpu.memory_space<vmem>>[vector<16xi32>, vector<16xi32>], vector<16xf32>,
        %broadcast_in_dim3A_123 = vector.broadcast %scan3A_117 : i32 to vector<16xi32>
        %mul3A_124 = arith.mulf %mul3A_48, %gather3A_122 : vector<16xf32>
        tpu.vector_store_idx %arg8[%broadcast_in_dim3A_123, %get3A_19], %mul3A_124 masked %gt3A_23 {add = true} : memref<32x1024xf32, #tpu.memory_space<vmem>>[vector<16xi32>, vector<16xi32>], vector<16xf32>, vector<16xi1>
      }
      %scan3A_54 = arith.constant 32 : i32
      %mul3A_55 = arith.constant 32 : i32
      %mul3A_56 = arith.muli %add3A_33, %mul3A_55 : i32
      %add3A_57 = arith.addi %mul3A_2, %mul3A_56 : i32
      %dma_start3A_58 = arith.constant 0 : i32
      %dma_start3A_59 = tpu.memref_slice %arg7[%add3A_57, %dma_start3A_58] : memref<32768x1024xf32, #tpu.memory_space<hbm>> -> memref<32x1024xf32, #tpu.memory_space<hbm>>
      %dma_start3A_60 = arith.constant 0 : i32
      %dma_start3A_61 = tpu.memref_slice %arg7[%add3A_57, %dma_start3A_60] : memref<32768x1024xf32, #tpu.memory_space<hbm>> -> memref<32x1024xf32, #tpu.memory_space<hbm>>
      tpu.enqueue_dma source(%arg8 : memref<32x1024xf32, #tpu.memory_space<vmem>>) target(%dma_start3A_61 : memref<32x1024xf32, #tpu.memory_space<hbm>>) target_semaphore(%arg16 : memref<!tpu.dma_semaphore, #tpu.memory_space<semaphore_mem>>)
      %dma_wait3A_62 = arith.constant 0 : i32
      %dma_wait3A_63 = tpu.memref_slice %arg7[%add3A_57, %dma_wait3A_62] : memref<32768x1024xf32, #tpu.memory_space<hbm>> -> memref<32x1024xf32, #tpu.memory_space<hbm>>
      %dma_wait3A_64 = arith.constant 0 : i32
      %dma_wait3A_65 = tpu.memref_slice %arg7[%add3A_57, %dma_wait3A_64] : memref<32768x1024xf32, #tpu.memory_space<hbm>> -> memref<32x1024xf32, #tpu.memory_space<hbm>>
      tpu.wait_dma2 semaphore(%arg16 : memref<!tpu.dma_semaphore, #tpu.memory_space<semaphore_mem>>) src(%arg8 : memref<32x1024xf32, #tpu.memory_space<vmem>>) dst(%dma_wait3A_65 : memref<32x1024xf32, #tpu.memory_space<hbm>>)
      %add3A_66 = arith.constant 2 : i32
      %add3A_67 = arith.addi %add3A_33, %add3A_66 : i32
      %lt3A = arith.constant 32 : i32
      %lt3A_68 = arith.cmpi slt, %add3A_67, %lt3A : i32
      %convert_element_type3A = arith.extui %lt3A_68 : i1 to i32
      %cond3A = arith.constant 0 : i32
      %cond3A_69 = arith.cmpi ne, %convert_element_type3A, %cond3A : i32
      scf.if %cond3A_69 {
        %add3A_117 = arith.constant 2 : i32
        %add3A_118 = arith.addi %add3A_33, %add3A_117 : i32
        %mul3A_119 = arith.constant 32 : i32
        %mul3A_120 = arith.muli %add3A_118, %mul3A_119 : i32
        %add3A_121 = arith.addi %mul3A_2, %mul3A_120 : i32
        %dma_start3A_122 = arith.constant 0 : i32
        %dma_start3A_123 = tpu.memref_slice %arg2[%add3A_121, %dma_start3A_122] : memref<32768x1024xf32, #tpu.memory_space<hbm>> -> memref<32x1024xf32, #tpu.memory_space<hbm>>
        %dma_start3A_124 = arith.constant 0 : i32
        %dma_start3A_125 = tpu.memref_slice %arg2[%add3A_121, %dma_start3A_124] : memref<32768x1024xf32, #tpu.memory_space<hbm>> -> memref<32x1024xf32, #tpu.memory_space<hbm>>
        tpu.enqueue_dma source(%dma_start3A_125 : memref<32x1024xf32, #tpu.memory_space<hbm>>) target(%arg8 : memref<32x1024xf32, #tpu.memory_space<vmem>>) target_semaphore(%arg14 : memref<!tpu.dma_semaphore, #tpu.memory_space<semaphore_mem>>)
      } else {
      }
      %mul3A_70 = arith.constant 2 : i32
      %mul3A_71 = arith.muli %mul3A_70, %scan3A_29 : i32
      %add3A_72 = arith.constant 1 : i32
      %add3A_73 = arith.addi %mul3A_71, %add3A_72 : i32
      %mul3A_74 = arith.constant 32 : i32
      %mul3A_75 = arith.muli %add3A_73, %mul3A_74 : i32
      %add3A_76 = arith.addi %mul3A_2, %mul3A_75 : i32
      %dma_wait3A_77 = arith.constant 0 : i32
      %dma_wait3A_78 = tpu.memref_slice %arg2[%add3A_76, %dma_wait3A_77] : memref<32768x1024xf32, #tpu.memory_space<hbm>> -> memref<32x1024xf32, #tpu.memory_space<hbm>>
      %dma_wait3A_79 = arith.constant 0 : i32
      %dma_wait3A_80 = tpu.memref_slice %arg2[%add3A_76, %dma_wait3A_79] : memref<32768x1024xf32, #tpu.memory_space<hbm>> -> memref<32x1024xf32, #tpu.memory_space<hbm>>
      tpu.wait_dma2 semaphore(%arg15 : memref<!tpu.dma_semaphore, #tpu.memory_space<semaphore_mem>>) src(%dma_wait3A_80 : memref<32x1024xf32, #tpu.memory_space<hbm>>) dst(%arg9 : memref<32x1024xf32, #tpu.memory_space<vmem>>)
      %mul3A_81 = arith.constant 32 : i32
      %mul3A_82 = arith.muli %add3A_73, %mul3A_81 : i32
      %add3A_83 = arith.addi %mul3A_2, %mul3A_82 : i32
      %shift_right_logical3A_84 = arith.constant 6 : i32
      %shift_right_logical3A_85 = arith.shrui %add3A_83, %shift_right_logical3A_84 : i32
      %and3A_86 = arith.constant 63 : i32
      %and3A_87 = arith.andi %shift_right_logical3A_85, %and3A_86 : i32
      %and3A_88 = arith.constant 63 : i32
      %and3A_89 = arith.andi %add3A_83, %and3A_88 : i32
      %broadcast_in_dim3A_90 = vector.broadcast %and3A_87 : i32 to vector<16xi32>
      %gather3A_91 = tpu.vector_load_idx %arg13[%iota3A, %broadcast_in_dim3A_90] : memref<16x128xf32, #tpu.memory_space<vmem>>[vector<16xi32>, vector<16xi32>], vector<16xf32>,
      %mul3A_92 = arith.mulf %gather3A_91, %get3A_21 : vector<16xf32>
      %scan3A_93 = arith.constant 0 : i32
      %scan3A_94 = arith.constant 0 : i32
      %scan3A_95 = arith.constant 32 : i32
      %scan3A_96 = arith.addi %scan3A_94, %scan3A_95 : i32
      %scan3A_97 = arith.constant 1 : i32
      scf.for %scan3A_117 = %scan3A_94 to %scan3A_96 step %scan3A_97  : i32 {
        %add3A_118 = arith.constant 64 : i32
        %add3A_119 = arith.addi %add3A_118, %and3A_89 : i32
        %add3A_120 = arith.addi %add3A_119, %scan3A_117 : i32
        %broadcast_in_dim3A_121 = vector.broadcast %add3A_120 : i32 to vector<16xi32>
        %gather3A_122 = tpu.vector_load_idx %arg13[%iota3A, %broadcast_in_dim3A_121] : memref<16x128xf32, #tpu.memory_space<vmem>>[vector<16xi32>, vector<16xi32>], vector<16xf32>,
        %broadcast_in_dim3A_123 = vector.broadcast %scan3A_117 : i32 to vector<16xi32>
        %mul3A_124 = arith.mulf %mul3A_92, %gather3A_122 : vector<16xf32>
        tpu.vector_store_idx %arg9[%broadcast_in_dim3A_123, %get3A_19], %mul3A_124 masked %gt3A_23 {add = true} : memref<32x1024xf32, #tpu.memory_space<vmem>>[vector<16xi32>, vector<16xi32>], vector<16xf32>, vector<16xi1>
      }
      %scan3A_98 = arith.constant 32 : i32
      %mul3A_99 = arith.constant 32 : i32
      %mul3A_100 = arith.muli %add3A_73, %mul3A_99 : i32
      %add3A_101 = arith.addi %mul3A_2, %mul3A_100 : i32
      %dma_start3A_102 = arith.constant 0 : i32
      %dma_start3A_103 = tpu.memref_slice %arg7[%add3A_101, %dma_start3A_102] : memref<32768x1024xf32, #tpu.memory_space<hbm>> -> memref<32x1024xf32, #tpu.memory_space<hbm>>
      %dma_start3A_104 = arith.constant 0 : i32
      %dma_start3A_105 = tpu.memref_slice %arg7[%add3A_101, %dma_start3A_104] : memref<32768x1024xf32, #tpu.memory_space<hbm>> -> memref<32x1024xf32, #tpu.memory_space<hbm>>
      tpu.enqueue_dma source(%arg9 : memref<32x1024xf32, #tpu.memory_space<vmem>>) target(%dma_start3A_105 : memref<32x1024xf32, #tpu.memory_space<hbm>>) target_semaphore(%arg17 : memref<!tpu.dma_semaphore, #tpu.memory_space<semaphore_mem>>)
      %dma_wait3A_106 = arith.constant 0 : i32
      %dma_wait3A_107 = tpu.memref_slice %arg7[%add3A_101, %dma_wait3A_106] : memref<32768x1024xf32, #tpu.memory_space<hbm>> -> memref<32x1024xf32, #tpu.memory_space<hbm>>
      %dma_wait3A_108 = arith.constant 0 : i32
      %dma_wait3A_109 = tpu.memref_slice %arg7[%add3A_101, %dma_wait3A_108] : memref<32768x1024xf32, #tpu.memory_space<hbm>> -> memref<32x1024xf32, #tpu.memory_space<hbm>>
      tpu.wait_dma2 semaphore(%arg17 : memref<!tpu.dma_semaphore, #tpu.memory_space<semaphore_mem>>) src(%arg9 : memref<32x1024xf32, #tpu.memory_space<vmem>>) dst(%dma_wait3A_109 : memref<32x1024xf32, #tpu.memory_space<hbm>>)
      %add3A_110 = arith.constant 2 : i32
      %add3A_111 = arith.addi %add3A_73, %add3A_110 : i32
      %lt3A_112 = arith.constant 32 : i32
      %lt3A_113 = arith.cmpi slt, %add3A_111, %lt3A_112 : i32
      %convert_element_type3A_114 = arith.extui %lt3A_113 : i1 to i32
      %cond3A_115 = arith.constant 0 : i32
      %cond3A_116 = arith.cmpi ne, %convert_element_type3A_114, %cond3A_115 : i32
      scf.if %cond3A_116 {
        %add3A_117 = arith.constant 2 : i32
        %add3A_118 = arith.addi %add3A_73, %add3A_117 : i32
        %mul3A_119 = arith.constant 32 : i32
        %mul3A_120 = arith.muli %add3A_118, %mul3A_119 : i32
        %add3A_121 = arith.addi %mul3A_2, %mul3A_120 : i32
        %dma_start3A_122 = arith.constant 0 : i32
        %dma_start3A_123 = tpu.memref_slice %arg2[%add3A_121, %dma_start3A_122] : memref<32768x1024xf32, #tpu.memory_space<hbm>> -> memref<32x1024xf32, #tpu.memory_space<hbm>>
        %dma_start3A_124 = arith.constant 0 : i32
        %dma_start3A_125 = tpu.memref_slice %arg2[%add3A_121, %dma_start3A_124] : memref<32768x1024xf32, #tpu.memory_space<hbm>> -> memref<32x1024xf32, #tpu.memory_space<hbm>>
        tpu.enqueue_dma source(%dma_start3A_125 : memref<32x1024xf32, #tpu.memory_space<hbm>>) target(%arg9 : memref<32x1024xf32, #tpu.memory_space<vmem>>) target_semaphore(%arg15 : memref<!tpu.dma_semaphore, #tpu.memory_space<semaphore_mem>>)
      } else {
      }
    }
    %scan3A_28 = arith.constant 16 : i32
    return
  }
}

</mosaic_0001>

<sc_bundles>
// kernel: kernel.3.cloned.1.call-start
scs
__scs_entry_jumppad:
0x0: {  	(pc) =	sbr.rel $0x88, $3  }
0x1: {  	(tag) =	ssettag $0x0;
	lr =	simm.s32 $0x1  }
0x2: {  	[smem:$0x3F9D] =	sst lr;
	_ =	strace $0xD0000000  }
0x3: {  	_ = 	snop  }
0x4: {  	_ = 	snop  }
0x5: {  	_ = 	snop  }
0x6: {  	_ = 	snop  }
0x7: {  	_ = 	snop  }
__scs_overlays_trampoline_lowered:
0x8: {  	[smem:$0x3FAC] =	sst s0  }
0x9: {  	[smem:$0x3FAD] =	sst s1  }
0xa: {  	[smem:$0x3FAE] =	sst s2  }
0xb: {  	[smem:$0x3FAF] =	sst s3  }
0xc: {  	[smem:$0x3FB0] =	sst s4  }
0xd: {  	[smem:$0x3FB1] =	sst s5  }
0xe: {  	[smem:$0x3FB2] =	sst s6  }
0xf: {  	[smem:$0x3FB3] =	sst s7  }
0x10: {  	[smem:$0x3FB4] =	sst s8  }
0x11: {  	[smem:$0x3FB5] =	sst s9;
	s0 =	simm.s32 @!p0 $0x0  }
0x12: {  	s1 =	sld [smem:$0x3F9B];
	s0 =	simm.s32 @p0 $0x1  }
0x13: {  	[smem:$0x3FB6] =	sst s0;
	s0 =	simm.s32 @!p1 $0x0  }
0x14: {  	s2 =	sld [smem:$0x3F9A];
	s0 =	simm.s32 @p1 $0x1  }
0x15: {  	[smem:$0x3FB7] =	sst s0;
	s0 =	simm.s32 @!p2 $0x0  }
0x16: {  	s3 =	sld [smem:$0x3FDB];
	s0 =	simm.s32 @p2 $0x1  }
0x17: {  	s4 =	simm.s32 $0x1BF5;
	[smem:$0x3FB9] =	sst s0  }
0x18: {  	s0 =	sld [smem:$0x3F9C];
	_ =	swait.ge [sflag:s4], $0x0  }
0x19: {  	s7 =	sld [smem:$0x3F9D]  }
0x1a: {  	s8 =	sadd.s32 $0xFFFFE003, lr  }
0x1b: {  	s9 =	sadd.s32 $0xFFFFFEF7, lr;
	s5 =	simm.s32 $0xFFFFFFFF;
	p2 =	slt.u32 s8, $0xFFFFF086  }
0x1c: {  	p1 =	slt.u32 s9, $0xF7A;
	s5 =	simm.s32 @!p2 $0x0  }
0x1d: {  	s5 =	simm.s32 @p1 $0x1;
	p0 =	seq.s32 s7, s2  }
0x1e: {  	s7 =	smul.u32 @!p0 $0xF7A, s2;
	p2 =	seq.s32 @!p0 s5, $0x0  }
0x1f: {  	s9 =	smul.u32 $0xF7A, s1;
	s8 =	simm.s32 @!p0 $0x1BF5;
	p2 =	por !p2, p0  }
0x20: {  	[sflag:s8] =	ssyncset.s32 @!p0 $0xFFFFF086;
	s6 =	sadd.s32 @!p0 s3, s7;
	s7 =	simm.s32 @!p0 $0x108  }
0x21: {  	s3 =	sadd.s32 s3, s9;
	s6 =	sadd.s32 @!p0 $0x88, s6;
	s7 =	simm.s32 @p2 $0x1082  }
0x22: {  	[simem:s7], [sflag:s8] =	dma.local @!p0 [hbm:s6], $0xF7A  }
0x23: {  	s9 =	sor.u32 $0xD0000000, s2;
	s6 =	simm.s32 $0x108;
	_ =	swait.ge @!p0 [sflag:s8], $0x0  }
0x24: {  	s3 =	sadd.s32 $0x88, s3;
	s6 =	simm.s32 @!p1 $0x1082;
	[sflag:s4] =	ssyncset.s32 $0xFFFFF086  }
0x25: {  	[simem:s6], [sflag:s4] =	dma.local [hbm:s3], $0xF7A  }
0x26: {  	[smem:$0x3F9D] =	sst s1;
	(tag) =	ssettag s2;
	_ =	strace s9  }
0x27: {  	s1 =	sld [smem:$0x3FAD]  }
0x28: {  	s2 =	sld [smem:$0x3FAE]  }
0x29: {  	s4 =	sld [smem:$0x3FB0]  }
0x2a: {  	p0 =	seq.s32 s5, $0x0;
	s5 =	sld [smem:$0x3FB1]  }
0x2b: {  	s6 =	sld [smem:$0x3FB2]  }
0x2c: {  	s7 =	sld [smem:$0x3FB3]  }
0x2d: {  	s3 =	simm.s32 $0x108;
	s8 =	sld [smem:$0x3FB4]  }
0x2e: {  	s3 =	simm.s32 @!p0 $0x1082;
	s9 =	sld [smem:$0x3FB5]  }
0x2f: {  	lr =	sadd.s32 s0, s3;
	s0 =	sld [smem:$0x3FAC]  }
0x30: {  	s3 =	sld [smem:$0x3FAF]  }
0x31: {  	[smem:$0x3FB8] =	sst s10  }
0x32: {  	s10 =	sld [smem:$0x3FB6];
	_ =	sdelay $0x3  }
0x33: {  	p0 =	seq.s32 s10, $0x1;
	s10 =	sld [smem:$0x3FB8];
	_ =	sdelay $0x3  }
0x34: {  	[smem:$0x3FB8] =	sst s10  }
0x35: {  	s10 =	sld [smem:$0x3FB7];
	_ =	sdelay $0x3  }
0x36: {  	p1 =	seq.s32 s10, $0x1;
	s10 =	sld [smem:$0x3FB8];
	_ =	sdelay $0x3  }
0x37: {  	[smem:$0x3FB8] =	sst s10  }
0x38: {  	s10 =	sld [smem:$0x3FB9]  }
0x39: {  	_ = 	snop;
	(pc) =	sbr.ind lr, $3  }
0x3a: {  	_ = 	snop  }
0x3b: {  	_ = 	snop  }
0x3c: {  	p2 =	seq.s32 s10, $0x1;
	s10 =	sld [smem:$0x3FB8]  }
0x3d: {  	_ =	shalt  }
0x3e: {  	_ =	shalt  }
0x3f: {  	_ =	shalt  }
0x40: {  	_ =	shalt  }
0x41: {  	_ =	shalt  }
0x42: {  	_ =	shalt  }
0x43: {  	_ =	shalt  }
0x44: {  	_ =	shalt  }
0x45: {  	_ =	shalt  }
0x46: {  	_ =	shalt  }
0x47: {  	_ =	shalt  }
0x48: {  	_ =	shalt  }
0x49: {  	_ =	shalt  }
0x4a: {  	_ =	shalt  }
0x4b: {  	_ =	shalt  }
0x4c: {  	_ =	shalt  }
0x4d: {  	_ =	shalt  }
0x4e: {  	_ =	shalt  }
0x4f: {  	_ =	shalt  }
0x50: {  	_ =	shalt  }
0x51: {  	_ =	shalt  }
0x52: {  	_ =	shalt  }
0x53: {  	_ =	shalt  }
0x54: {  	_ =	shalt  }
0x55: {  	_ =	shalt  }
0x56: {  	_ =	shalt  }
0x57: {  	_ =	shalt  }
0x58: {  	_ =	shalt  }
0x59: {  	_ =	shalt  }
0x5a: {  	_ =	shalt  }
0x5b: {  	_ =	shalt  }
0x5c: {  	_ =	shalt  }
0x5d: {  	_ =	shalt  }
0x5e: {  	_ =	shalt  }
0x5f: {  	_ =	shalt  }
0x60: {  	_ =	shalt  }
0x61: {  	_ =	shalt  }
0x62: {  	_ =	shalt  }
0x63: {  	_ =	shalt  }
0x64: {  	_ =	shalt  }
0x65: {  	_ =	shalt  }
0x66: {  	_ =	shalt  }
0x67: {  	_ =	shalt  }
0x68: {  	_ =	shalt  }
0x69: {  	_ =	shalt  }
0x6a: {  	_ =	shalt  }
0x6b: {  	_ =	shalt  }
0x6c: {  	_ =	shalt  }
0x6d: {  	_ =	shalt  }
0x6e: {  	_ =	shalt  }
0x6f: {  	_ =	shalt  }
0x70: {  	_ =	shalt  }
0x71: {  	_ =	shalt  }
0x72: {  	_ =	shalt  }
0x73: {  	_ =	shalt  }
0x74: {  	_ =	shalt  }
0x75: {  	_ =	shalt  }
0x76: {  	_ =	shalt  }
0x77: {  	_ =	shalt  }
0x78: {  	_ =	shalt  }
0x79: {  	_ =	shalt  }
0x7a: {  	_ =	shalt  }
0x7b: {  	_ =	shalt  }
0x7c: {  	_ =	shalt  }
0x7d: {  	_ =	shalt  }
0x7e: {  	_ =	shalt  }
0x7f: {  	_ =	shalt  }
0x80: {  	_ =	shalt  }
0x81: {  	_ =	shalt  }
0x82: {  	_ =	shalt  }
0x83: {  	_ =	shalt  }
0x84: {  	_ =	shalt  }
0x85: {  	_ =	shalt  }
0x86: {  	_ =	shalt  }
0x87: {  	_ =	shalt  }
.Lfunc_end0:
.L_simem_size_0:
called_computation_lowered:
.L_overlay_start_0:
0x88: {  	s2 =	sld [smem:$0x3FD9]  }
0x89: {  	s3 =	sld [smem:$0x3FFE];
	_ =	sdelay $0x1  }
0x8a: {  	s1 =	srdreg.scid  }
0x8b: {  	s0 =	sand.u32 $0x1, s1  }
0x8c: {  	s17 =	sshll.u32 s0, $0xA;
	s2 =	sadd.s32 s3, s2  }
0x8d: {  	s2 =	sadd.s32 s2, s17  }
0x8e: {  	[smem:$0x3FC4] =	sst s2  }
0x8f: {  	_ = 	snop  }
0x90: {  	s2 =	sld [smem:$0x3FC9]  }
0x91: {  	s18 =	sld [smem:$0x3FD0];
	(tm) =	ssettm $0x1  }
0x92: {  	s4 =	sld [smem:$0x3FFB];
	_ =	sdelay $0x3  }
0x93: {  	_ =	strace s4  }
0x94: {  	s4 =	sld [smem:$0x3FFC];
	_ =	sdelay $0x3  }
0x95: {  	_ =	strace s4  }
0x96: {  	s4 =	sld [smem:$0x3FFD];
	_ =	sdelay $0x3  }
0x97: {  	_ =	strace s4  }
0x98: {  	_ =	strace $0x8FFFFFFF  }
0x99: {  	s19 =	sld [smem:$0x3FDB];
	_ =	sdelay $0x1  }
0x9a: {  	s5 =	simm.s32 $_scs_section_size  }
0x9b: {  	s6 =	simm.s32 $_size__tile_overlayer_lowered;
	s7 =	simm.s32 $_tile_overlayer_lowered  }
0x9c: {  	s22 =	simm.s32 $0x1BFF;
	s21 =	sshll.u32 s7, $0x1;
	s4 =	sadd.s32 s5, s19  }
0x9d: {  	s8 =	simm.s32 $0x0;
	s20 =	sshll.u32 s6, $0x1;
	s6 =	sadd.s32 s21, s4  }
0x9e: {  	[timem:s8], [sflag:s22] =	dma.local [hbm:s6], s20  }
0x9f: {  	_ =	swait.ge [sflag:s22], s20  }
0xa0: {  	s5 =	ssub.s32 $0x0, s20;
	[sflag:s22] =	ssyncset.done $0x0  }
0xa1: {  	[sflag:s22] =	ssyncadd.s32 s5;
	_ =	sdelay $0x1  }
0xa2: {  	s23 =	simm.s32 $0x1B8B  }
0xa3: {  	_ =	swait.ge [sflag:s23], $0x1  }
0xa4: {  	[sflag:s23] =	ssyncset.done $0x0  }
0xa5: {  	s25 =	simm.s32 $0x1B8E;
	s24 =	sld [smem:$0x3FFE];
	[sflag:s23] =	ssyncadd.s32 $0xFFFFFFFF  }
0xa6: {  	s26 =	simm.s32 $execute0_lowered;
	[smem:$0x3FD2] =	sst s25  }
0xa7: {  	s6 =	sshll.u32 s26, $0x1;
	_ =	strace $0x80000046;
	[dreg:$0x1] =	wrdreg $0xFFFFFFFF  }
0xa8: {  	s28 =	simm.s32 $_size_execute0_lowered;
	s4 =	sadd.s32 s4, s6;
	[dreg:$0x0] =	wrdreg $0x0  }
0xa9: {  	s6 =	sshll.u32 s28, $0x1;
	[dreg:$0x2] =	wrdreg s4  }
0xaa: {  	[dreg:$0x3] =	wrdreg s6  }
0xab: {  	[dreg:$0x4] =	wrdreg $0xC0  }
0xac: {  	_ =	task [dreg:s8], $0x5FFFF  }
0xad: {  	[dreg:$0x1] =	wrdreg $0xFFFFFFFF  }
0xae: {  	[dreg:$0x0] =	wrdreg $0x60  }
0xaf: {  	[dreg:$0x2] =	wrdreg s2  }
0xb0: {  	[dreg:$0x3] =	wrdreg s24  }
0xb1: {  	[dreg:$0x4] =	wrdreg s18  }
0xb2: {  	[dreg:$0x5] =	wrdreg $0x9  }
0xb3: {  	_ =	task.clear_ibuf [dreg:s8], $0x6FFFF;
	_ =	strace $0x90000046  }
0xb4: {  	s29 =	simm.s32 $0x9;
	_ =	strace $0x80000048  }
0xb5: {  	_ =	swait.ge [sflag:s29], $0x1  }
0xb6: {  	[sflag:s29] =	ssyncadd.s32 $0xFFFFFFFF  }
0xb7: {  	_ =	strace $0x90000048  }
0xb8: {  	_ =	sfence  }
0xb9: {  	s30 =	sld [smem:$0x0];
	_ =	sdelay $0x2  }
0xba: {  	s31 =	sshll.u32 s1, $0xD;
	s1 =	sshrl.u32 s1, $0x2  }
0xbb: {  	s3 =	sand.u32 $0x4000, s31;
	s1 =	sadd.s32 s1, s30  }
0xbc: {  	s0 =	sor.u32 s3, s0;
	s1 =	sshll.u32 s1, $0x11  }
0xbd: {  	s0 =	sor.u32 s1, s0  }
0xbe: {  	s0 =	sadd.s32 $0x8F2B, s0  }
0xbf: {  	[sflag:s0] =	ssyncadd.remote.s32 $0x1  }
0xc0: {  	_ =	sfence.sel $0xFFFF  }
0xc1: {  	[dreg:$0x0] =	wrdreg $0xFFFFFFFF;
	(pc) =	sbr.abs _section_cstart, $3  }
0xc2: {  	[dreg:$0x1] =	wrdreg $0xFFFFFFFF  }
0xc3: {  	_ =	task.clear_ibuf [dreg:s8], $0x2FFFF;
	_ =	strace $0x9FFFFFFF  }
0xc4: {  	(tm) =	ssettm $0x7FFFFFFF  }
0xc5: {  	_ =	shalt  }
tec
execute0_lowered:
.L_overlay_start_1:
0x0: {  	(tag) =	ssettag $0x1  }
0x1: {  	s0 =	rddreg [dreg:$0x0]  }
0x2: {  	s3 =	rddreg [dreg:$0x1]  }
0x3: {  	s1 =	rddreg [dreg:$0x2];
	s2 =	simm.s32 $0x0;
	s4 =	srdreg.scid  }
0x4: {  	s9 =	stileid.u32;
	s14 =	simm.s32 $0x8000;
	s15 =	simm.s32 $0x10000  }
0x5: {  	s16 =	simm.s32 $0x6;
	s17 =	simm.s32 $0x10080;
	s18 =	simm.s32 $0x10100  }
0x6: {  	s19 =	simm.s32 $0x10;
	s20 =	simm.s32 $0x10180;
	s21 =	simm.s32 $0x5  }
0x7: {  	s22 =	simm.s32 $0x1;
	s23 =	simm.s32 $0x3;
	s24 =	simm.s32 $0x2  }
0x8: {  	s25 =	simm.s32 $0x4;
	s26 =	simm.s32 $0x0;
	s5 =	sand.u32 $0x1, s4  }
0x9: {  	[smem:$0x7FF] =	sst s2;
	s4 =	sadd.s32 $0x600, s3;
	s6 =	sshll.u32 s5, $0x4  }
0xa: {  	_ =	strace $0x80000047;
	s5 =	ssub.s32 $0x2, s5;
	s6 =	sor.u32 s9, s6  }
0xb: {  	s7 =	sshrl.u32 s5, $0x1;
	s9 =	sshll.u32 s9, $0x4;
	s8 =	sshll.u32 s6, $0x4  }
.Ltmp0:
0xc: {  	s10 =	sshll.u32 s6, $0x11;
	s9 =	sand.u32 $0x70, s9;
	(pc) =	sbr.rel .LBB2_1-.Ltmp0, $4  }
0xd: {  	s13 =	ssub.s32 s5, s7;
	s6 =	sshll.u32 s6, $0xA;
	s8 =	sand.u32 $0x180, s8  }
0xe: {  	s5 =	sadd.s32 s0, s10;
	s13 =	smax.u32 s13, $0x1;
	s31 =	sor.u32 s9, s8  }
0xf: {  	v0 =	vlaneseq.u32;
	s7 =	sadd.s32 $0x1000, s5;
	s11 =	sadd.s32 $0x2000, s5;
	s8 =	sadd.s32 s3, s31  }
0x10: {  	v0 =	vmul.u32 $0x80, v0;
	s12 =	sadd.s32 $0x3000, s5;
	s9 =	sadd.s32 $0x200, s8;
	s10 =	sadd.s32 $0x400, s8  }
.LBB2_8:
0x11: {  	s26 =	sadd.s32 $0x1, s26  }
0x12: {  	p0 =	sne.s32 s26, s13  }
.Ltmp1:
0x13: {  	_ = 	snop;
	(pc) =	sbr.rel @!p0 .LBB2_9-.Ltmp1, $1  }
0x14: {  	_ =	sdelay $0x3  }
.LBB2_1:
0x15: {  	[tilespmem:s2], [sflag:$0x1] =	stream.linear.gather [hbm4b:s5+s2], $0x8000, $0x38;
	[tilespmem:$0x10980] =	vst v63  }
0x16: {  	_ = 	snop  }
0x17: {  	[tilespmem:s14], [sflag:$0x2] =	stream.linear.gather [hbm4b:s7+s2], $0x8000, $0x38;
	[tilespmem:$0x10980] =	vst v63  }
0x18: {  	_ = 	snop  }
0x19: {  	[tilespmem:s15], [sflag:$0x6] =	stream.linear.gather [hbm4b:s8+s2], $0x80, $0x38;
	[tilespmem:$0x10980] =	vst v63  }
0x1a: {  	_ =	swait.ge [sflag:s16], $0x80  }
0x1b: {  	[sflag:s16] =	ssyncset.done $0x0  }
0x1c: {  	[sflag:s16] =	ssyncadd.s32 $0xFFFFFF80  }
0x1d: {  	[tilespmem:s17], [sflag:$0x6] =	stream.linear.gather [hbm4b:s9+s2], $0x80, $0x38;
	[tilespmem:$0x10980] =	vst v63  }
0x1e: {  	_ =	swait.ge [sflag:s16], $0x80  }
0x1f: {  	[sflag:s16] =	ssyncset.done $0x0  }
0x20: {  	[sflag:s16] =	ssyncadd.s32 $0xFFFFFF80  }
0x21: {  	[tilespmem:s18], [sflag:$0x6] =	stream.linear.gather [hbm4b:s10+s2], $0x80, $0x38;
	[tilespmem:$0x10980] =	vst v63  }
0x22: {  	_ =	swait.ge [sflag:s16], $0x80  }
0x23: {  	[sflag:s16] =	ssyncset.done $0x0  }
0x24: {  	[sflag:s16] =	ssyncadd.s32 $0xFFFFFF80  }
0x25: {  	[tilespmem:s20], [sflag:$0x5] =	stream.indirect.gather [hbm4b:s4+s19], $0x80, s18, s19, $0xb8;
	[tilespmem:$0x10980] =	vst v63  }
0x26: {  	_ =	swait.ge [sflag:s21], $0x800  }
0x27: {  	[sflag:s21] =	ssyncset.done $0x0  }
0x28: {  	[sflag:s21] =	ssyncadd.s32 $0xFFFFF800  }
0x29: {  	v2 =	vld [tilespmem:$0x10000]  }
0x2a: {  	v1 =	vld [tilespmem:$0x10080];
	_ =	sdelay $0x3  }
0x2b: {  	v3 =	vshll.u32 v2, $0x3  }
0x2c: {  	s28 =	simm.s32 $0x0;
	v2 =	vand.u32 $0x7F, v2;
	vm0 =	vgt.f32 v1, $0.0e+00;
	v3 =	vand.u32 $0xFFFFFC00, v3  }
.LBB2_2:
0x2d: {  	s0 =	sshll.u32 s28, $0x6  }
0x2e: {  	s29 =	sor.u32 s6, s0  }
0x2f: {  	s0 =	sshrl.u32 s29, $0x6  }
0x30: {  	s0 =	sand.u32 $0x3F, s0  }
0x31: {  	v4 =	vor.u32 s0, v0  }
0x32: {  	s3 =	simm.s32 $0x40  }
0x33: {  	_ =	swait.ge [sflag:s22], $0x8000;
	v6 =	vmov s3  }
0x34: {  	[sflag:s22] =	ssyncset.done $0x0;
	v6 =	vand.u32 $0x7F, v6  }
0x35: {  	[sflag:s22] =	ssyncadd.s32 $0xFFFF8000;
	v6 =	vbroadcast v6, $0x0  }
0x36: {  	v5 =	vld.idx.msk [tilespmem:v4+s20+$0x0], $0xffff  }
0x37: {  	v6 =	vor.u32 v0, v6;
	_ =	sdelay $0x1  }
0x38: {  	s3 =	simm.s32 $0x0  }
0x39: {  	v7 =	vmov s3  }
0x3a: {  	s30 =	simm.s32 $0x1;
	s31 =	simm.s32 $0x2;
	v8 =	vshll.u32 v7, $0xA;
	s0 =	simm.s32 $0x41;
	v5 =	vmul.f32 v5, v1  }
.LBB2_3:
0x3b: {  	p0 =	sne.s32 s31, $0x1F;
	v9 =	vmov s0;
	v10 =	vld.idx.msk [tilespmem:v6+s20+$0x0], $0xffff;
	v6 =	vand.u32 $0x6000, v8;
	v7 =	vshll.u32 v7, $0x7  }
0x3c: {  	v8 =	vand.u32 $0x7F, v9;
	v6 =	vadd.s32 v3, v6;
	v7 =	vand.u32 $0x380, v7  }
0x3d: {  	v8 =	vbroadcast v8, $0x0;
	v6 =	vor.u32 v7, v6  }
0x3e: {  	v9 =	vor.u32 v2, v6  }
.Ltmp2:
0x3f: {  	v6 =	vor.u32 v0, v8;
	(pc) =	sbr.rel @p0 .LBB2_3-.Ltmp2, $4  }
0x40: {  	_ = 	snop  }
0x41: {  	v10 =	vmul.f32 v10, v5  }
0x42: {  	v7 =	vmov s30;
	s30 =	smov.u32 s31  }
0x43: {  	s31 =	sadd.s32 $0x1, s31;
	s0 =	sadd.s32 $0x40, s30;
	v8 =	vshll.u32 v7, $0xA;
	[tilespmem:v9+s2+$0x0] =	vst.idx.add.f32.msk vm0, v10  }
0x44: {  	_ =	sdelay $0x2  }
0x45: {  	v9 =	vmov s0;
	v8 =	vand.u32 $0x6000, v8;
	v7 =	vshll.u32 v7, $0x7  }
0x46: {  	v6 =	vld.idx.msk [tilespmem:v6+s20+$0x0], $0xffff;
	v9 =	vand.u32 $0x7F, v9;
	v8 =	vadd.s32 v3, v8;
	v7 =	vand.u32 $0x380, v7  }
0x47: {  	v9 =	vbroadcast v9, $0x0;
	v7 =	vor.u32 v7, v8  }
0x48: {  	v7 =	vor.u32 v2, v7  }
0x49: {  	v8 =	vor.u32 v0, v9;
	_ =	sdelay $0x1  }
0x4a: {  	v63 =	vmov s30;
	v6 =	vmul.f32 v6, v5  }
0x4b: {  	v10 =	vshll.u32 v63, $0xA  }
0x4c: {  	[tilespmem:v7+s2+$0x0] =	vst.idx.add.f32.msk vm0, v6;
	v6 =	vand.u32 $0x6000, v10;
	v7 =	vshll.u32 v63, $0x7  }
0x4d: {  	v8 =	vld.idx.msk [tilespmem:v8+s20+$0x0], $0xffff;
	v6 =	vadd.s32 v3, v6;
	v7 =	vand.u32 $0x380, v7  }
0x4e: {  	v6 =	vor.u32 v7, v6  }
0x4f: {  	v6 =	vor.u32 v2, v6;
	_ =	sdelay $0x2  }
0x50: {  	v5 =	vmul.f32 v8, v5  }
0x51: {  	s30 =	sshll.u32 s29, $0x7  }
0x52: {  	s3 =	sadd.s32 s1, s30;
	[tilespmem:v6+s2+$0x0] =	vst.idx.add.f32.msk vm0, v5  }
0x53: {  	[hbm4b:s3+s2] =	stream.linear.scatter [tilespmem:s2], [sflag:$0x3], $0x8000, $0x38;
	[tilespmem:$0x10980] =	vst v63  }
0x54: {  	_ =	swait.ge [sflag:s23], $0x8000  }
0x55: {  	s29 =	sshll.u32 s28, $0xD;
	p0 =	seq.s32 s28, $0xF;
	[sflag:s23] =	ssyncset.done $0x0  }
0x56: {  	s0 =	sadd.s32 @!p0 s29, s11;
	s3 =	simm.s32 @!p0 $0x0;
	[sflag:s23] =	ssyncadd.s32 $0xFFFF8000  }
0x57: {  	[tilespmem:s3], [sflag:$0x1] =	stream.linear.gather @!p0 [hbm4b:s0+s3], $0x8000, $0x38;
	[tilespmem:$0x10980] =	vst v63  }
0x58: {  	s3 =	simm.s32 $0x60  }
0x59: {  	_ =	swait.ge [sflag:s24], $0x8000;
	v5 =	vmov s3  }
0x5a: {  	[sflag:s24] =	ssyncset.done $0x0;
	v5 =	vand.u32 $0x7F, v5  }
0x5b: {  	[sflag:s24] =	ssyncadd.s32 $0xFFFF8000;
	v5 =	vbroadcast v5, $0x0  }
0x5c: {  	v4 =	vld.idx.msk [tilespmem:v4+s20+$0x0], $0xffff  }
0x5d: {  	v5 =	vor.u32 v0, v5;
	_ =	sdelay $0x1  }
0x5e: {  	s3 =	simm.s32 $0x0  }
0x5f: {  	v6 =	vmov s3  }
0x60: {  	s31 =	simm.s32 $0x1;
	s0 =	simm.s32 $0x2;
	s3 =	simm.s32 $0x61;
	v7 =	vshll.u32 v6, $0xA;
	v4 =	vmul.f32 v4, v1  }
.LBB2_5:
0x61: {  	p1 =	sne.s32 s0, $0x1F;
	v8 =	vmov s3;
	v9 =	vld.idx.msk [tilespmem:v5+s20+$0x0], $0xffff;
	v5 =	vand.u32 $0x6000, v7;
	v6 =	vshll.u32 v6, $0x7  }
0x62: {  	v7 =	vand.u32 $0x7F, v8;
	v5 =	vadd.s32 v3, v5;
	v6 =	vand.u32 $0x380, v6  }
0x63: {  	v7 =	vbroadcast v7, $0x0;
	v5 =	vor.u32 v6, v5  }
0x64: {  	v8 =	vor.u32 v2, v5  }
.Ltmp3:
0x65: {  	v5 =	vor.u32 v0, v7;
	(pc) =	sbr.rel @p1 .LBB2_5-.Ltmp3, $4  }
0x66: {  	_ = 	snop  }
0x67: {  	v9 =	vmul.f32 v9, v4  }
0x68: {  	v6 =	vmov s31;
	s31 =	smov.u32 s0  }
0x69: {  	s0 =	sadd.s32 $0x1, s0;
	s3 =	sadd.s32 $0x60, s31;
	v7 =	vshll.u32 v6, $0xA;
	[tilespmem:v8+s14+$0x0] =	vst.idx.add.f32.msk vm0, v9  }
0x6a: {  	_ =	sdelay $0x2  }
0x6b: {  	v8 =	vmov s3;
	v7 =	vand.u32 $0x6000, v7;
	v6 =	vshll.u32 v6, $0x7  }
0x6c: {  	v5 =	vld.idx.msk [tilespmem:v5+s20+$0x0], $0xffff;
	v8 =	vand.u32 $0x7F, v8;
	v7 =	vadd.s32 v3, v7;
	v6 =	vand.u32 $0x380, v6  }
0x6d: {  	v8 =	vbroadcast v8, $0x0;
	v6 =	vor.u32 v6, v7  }
0x6e: {  	v6 =	vor.u32 v2, v6  }
0x6f: {  	v61 =	vor.u32 v0, v8;
	_ =	sdelay $0x1  }
0x70: {  	v62 =	vmov s31;
	v5 =	vmul.f32 v5, v4  }
0x71: {  	v9 =	vshll.u32 v62, $0xA  }
0x72: {  	v63 =	vshll.u32 v62, $0x7;
	[tilespmem:v6+s14+$0x0] =	vst.idx.add.f32.msk vm0, v5;
	v5 =	vand.u32 $0x6000, v9  }
0x73: {  	v6 =	vand.u32 $0x380, v63;
	v7 =	vld.idx.msk [tilespmem:v61+s20+$0x0], $0xffff;
	v5 =	vadd.s32 v3, v5  }
0x74: {  	v5 =	vor.u32 v6, v5  }
0x75: {  	v5 =	vor.u32 v2, v5;
	_ =	sdelay $0x2  }
0x76: {  	v4 =	vmul.f32 v7, v4  }
0x77: {  	s0 =	sadd.s32 s30, s1  }
.Ltmp4:
0x78: {  	s0 =	sadd.s32 $0x1000, s0;
	[tilespmem:v5+s14+$0x0] =	vst.idx.add.f32.msk vm0, v4;
	(pc) =	sbr.rel @p0 .LBB2_8-.Ltmp4, $4  }
0x79: {  	[hbm4b:s0+s2] =	stream.linear.scatter [tilespmem:s14], [sflag:$0x4], $0x8000, $0x38;
	[tilespmem:$0x10980] =	vst v63  }
0x7a: {  	_ =	swait.ge [sflag:s25], $0x8000  }
0x7b: {  	[sflag:s25] =	ssyncset.done $0x0  }
0x7c: {  	[sflag:s25] =	ssyncadd.s32 $0xFFFF8000  }
.Ltmp5:
0x7d: {  	(pc) =	sbr.rel .LBB2_2-.Ltmp5, $3  }
0x7e: {  	_ =	sdelay $0x1  }
0x7f: {  	s0 =	sadd.s32 s29, s12;
	s28 =	sadd.s32 $0x1, s28  }
0x80: {  	[tilespmem:s14], [sflag:$0x2] =	stream.linear.gather [hbm4b:s0+s2], $0x8000, $0x38;
	[tilespmem:$0x10980] =	vst v63  }
.LBB2_9:
0x81: {  	_ =	sfence.sel $0x180000  }
0x82: {  	[bflag:$0x0] =	sbarrier.arrive $0xFFFF  }
0x83: {  	_ =	strace $0x90000047  }
0x84: {  	s0 =	stileid.u32;
	[bflag:$0x2] =	sbarrier.arrive $0xFFFF  }
0x85: {  	p0 =	sne.s32 s0, $0x0;
	s0 =	rddreg [dreg:$0x3]  }
0x86: {  	s0 =	sadd.s32 @!p0 $0x100000, s0  }
0x87: {  	[sflag:s0] =	ssyncadd.tile.s32 @!p0 $0x1;
	_ =	shalt  }
.Lfunc_end2:
_tile_overlayer_lowered:
.L_overlay_start_2:
0x88: {  	(tag) =	ssettag $0x2  }
0x89: {  	s0 =	rddreg [dreg:$0x0];
	s2 =	stileid.u32  }
0x8a: {  	s1 =	rddreg [dreg:$0x1];
	p0 =	sne.s32 s2, $0x0  }
0x8b: {  	s3 =	rddreg [dreg:$0x2];
	[bflag:$0x3] =	sbarrier.arrive $0xFFFF;
	s2 =	simm.s32 @!p0 $0x1C06  }
0x8c: {  	[timem:s3], [sflag:s2] =	dma.local @!p0 [hbm:s0], s1  }
0x8d: {  	s0 =	simm.s32 @!p0 $0x6  }
0x8e: {  	_ =	swait.ge @!p0 [sflag:s0], s1  }
0x8f: {  	s1 =	ssub.s32 @!p0 $0x0, s1;
	[sflag:s0] =	ssyncset.done @!p0 $0x0  }
0x90: {  	[sflag:s0] =	ssyncadd.s32 @!p0 s1  }
0x91: {  	[bflag:$0x3] =	sbarrier.arrive $0xFFFF  }
0x92: {  	_ =	shalt  }

</sc_bundles>
